<compile_context>
chip_gen: v7x
topology: tpu7x:2x2x1
jax: 0.10.2.dev20260603
libtpu: 0.0.44.dev20260713+nightly
codegen_flags: <defaults>
</compile_context>

<pallas_src>
import functools

import jax
import jax.numpy as jnp
from jax import lax
from jax.experimental import pallas as pl
from jax.experimental.pallas import tpu as pltpu
from jax.experimental.pallas import tpu_sc as plsc

VOCAB_SIZE = 32000
D_MODEL = 2048
N_TOKENS = 16384
EPS = 1e-05

_NC = 2
_NS = 16
_NW = _NC * _NS
_B_PER_W = N_TOKENS // _NW
_CHUNK = 24
_NMAIN = _B_PER_W // _CHUNK
_TAIL = _B_PER_W - _NMAIN * _CHUNK


def _sc_gather_body(idx_hbm, table_hbm, out_hbm, idx_v, buf0, buf1,
                    gsem0, gsem1):
    wid = lax.axis_index("s") * _NC + lax.axis_index("c")
    base = wid * _B_PER_W
    pltpu.sync_copy(idx_hbm.at[pl.ds(base, _B_PER_W)], idx_v)

    bufs = (buf0, buf1)
    gsems = (gsem0, gsem1)

    def start_g(c, b):
        pltpu.async_copy(
            table_hbm.at[idx_v.at[pl.ds(c * _CHUNK, _CHUNK)]], bufs[b],
            gsems[b])

    def start_tail(b):
        pltpu.async_copy(
            table_hbm.at[idx_v.at[pl.ds(_NMAIN * _CHUNK, _TAIL)]],
            bufs[b].at[pl.ds(0, _TAIL)], gsems[b])

    def wait_g(b):
        pltpu.make_async_copy(table_hbm.at[pl.ds(0, _CHUNK)], bufs[b],
                              gsems[b]).wait()

    def wait_tail(b):
        pltpu.make_async_copy(table_hbm.at[pl.ds(0, _TAIL)],
                              bufs[b].at[pl.ds(0, _TAIL)], gsems[b]).wait()

    def drain(c, b):
        pltpu.sync_copy(bufs[b], out_hbm.at[pl.ds(base + c * _CHUNK, _CHUNK)])

    start_g(0, 0)

    @pl.loop(0, _NMAIN - 1, step=2)
    def _(c):
        wait_g(0)
        start_g(c + 1, 1)
        drain(c, 0)
        wait_g(1)
        start_g(c + 2, 0)
        drain(c + 1, 1)

    wait_g(0)
    start_tail(1)
    drain(_NMAIN - 1, 0)
    wait_tail(1)
    pltpu.sync_copy(bufs[1].at[pl.ds(0, _TAIL)],
                    out_hbm.at[pl.ds(base + _NMAIN * _CHUNK, _TAIL)])


def _make_sc_gather(interpret=False):
    return functools.partial(
        pl.kernel,
        out_type=jax.ShapeDtypeStruct((N_TOKENS, D_MODEL), jnp.float32),
        mesh=plsc.VectorSubcoreMesh(
            core_axis_name="c", subcore_axis_name="s",
            num_cores=_NC, num_subcores=_NS),
        scratch_types=(
            [pltpu.VMEM((_B_PER_W,), jnp.int32)]
            + [pltpu.VMEM((_CHUNK, D_MODEL), jnp.float32)] * 2
            + [pltpu.SemaphoreType.DMA] * 2
        ),
        cost_estimate=pl.CostEstimate(
            flops=0, transcendentals=0,
            bytes_accessed=2 * N_TOKENS * D_MODEL * 4 + N_TOKENS * 4),
        interpret=interpret,
    )(_sc_gather_body)


_SC_GATHER_CACHE = {}


def _sc_gather(input_ids, embed_table):
    if "k" not in _SC_GATHER_CACHE:
        _SC_GATHER_CACHE["k"] = _make_sc_gather()
    return _SC_GATHER_CACHE["k"](input_ids, embed_table)


_ROW_BLK = 1024


def _rms_body(x_ref, w_ref, o_ref):
    x = x_ref[...]
    var = jnp.mean(x * x, axis=-1, keepdims=True)
    o_ref[...] = x * lax.rsqrt(var + EPS) * w_ref[...]


def _rms_norm(hidden_states, norm_weight):
    return pl.pallas_call(
        _rms_body,
        grid=(N_TOKENS // _ROW_BLK,),
        in_specs=[
            pl.BlockSpec((_ROW_BLK, D_MODEL), lambda i: (i, 0)),
            pl.BlockSpec((1, D_MODEL), lambda i: (0, 0)),
        ],
        out_specs=pl.BlockSpec((_ROW_BLK, D_MODEL), lambda i: (i, 0)),
        out_shape=jax.ShapeDtypeStruct((N_TOKENS, D_MODEL), jnp.float32),
    )(hidden_states, norm_weight.reshape(1, D_MODEL))


def kernel(input_ids, positions, hidden_states, embed_table, norm_weight):
    input_embeds = _sc_gather(input_ids, embed_table)
    normed = _rms_norm(hidden_states, norm_weight)
    return (normed, hidden_states, input_embeds)

# --- scband reference (transcript-rebuilt; emitter-appended) ---
"""Pipeline reference for scband-llama-model-87591563034830 (READ-ONLY COPY).

The authoritative reference and input builder live on the scoring server;
editing this copy changes nothing except your own understanding.
"""

import jax, jax.numpy as jnp
import numpy as np

VOCAB = 32000
D_MODEL = 2048
N_TOKENS = 16384
EPS = 1e-05


def setup_inputs(seed: int = 0) -> dict:
    key = jax.random.key(seed)
    k1, k2, k3, k4, k5 = jax.random.split(key, 5)
    input_ids = jax.random.randint(k1, (N_TOKENS,), 0, VOCAB, dtype=jnp.int32)
    positions = jax.random.randint(k2, (N_TOKENS,), 0, 8192, dtype=jnp.int32)
    hidden_states = jax.random.normal(k3, (N_TOKENS, D_MODEL), dtype=jnp.float32)
    # learned parameters
    embed_table = jax.random.normal(k4, (VOCAB, D_MODEL), dtype=jnp.float32) * 0.02
    norm_weight = jnp.ones((D_MODEL,), dtype=jnp.float32)
    return {
        'input_ids': input_ids,
        'positions': positions,
        'hidden_states': hidden_states,
        'embed_table': embed_table,
        'norm_weight': norm_weight,
    }


def _rms_norm(x, weight, eps=EPS):
    variance = jnp.mean(jnp.square(x), axis=-1, keepdims=True)
    return x * jax.lax.rsqrt(variance + eps) * weight


def reference(input_ids, positions, hidden_states, embed_table, norm_weight):
    # embed_input_ids: vocab-parallel embedding lookup (gather)
    input_embeds = jnp.take(embed_table, input_ids, axis=0)
    assert hidden_states.shape[-1] == input_embeds.shape[-1]
    # residual is None -> RMSNorm returns (normed, prenorm)
    hidden_prenorm = hidden_states
    normed = _rms_norm(hidden_states, norm_weight)
    # NOTE: original forward returns (normed, hidden_prenorm); input_embeds is
    # computed but consumed elsewhere in the EAGLE pipeline. We return it too so
    # the embedding gather is not dead-code-eliminated.
    return (normed, hidden_prenorm, input_embeds)

if __name__ == "__main__":
    import jax
    _d = setup_inputs()
    print(jax.jit(kernel)(*tuple(_d.values())))

</pallas_src>

<mosaic_0001>
#map = affine_map<(d0, d1) -> (0)>
#map1 = affine_map<(d0, d1) -> (0, 0)>
module attributes {stable_mosaic.version = 14 : i64} {
  func.func @_sc_gather_body(%arg0: i32, %arg1: i32, %arg2: memref<16384xi32, #tpu.memory_space<hbm>>, %arg3: memref<32000x2048xf32, #tpu.memory_space<hbm>>, %arg4: memref<16384x2048xf32, #tpu.memory_space<hbm>>, %arg5: memref<512xi32, #tpu.memory_space<vmem>>, %arg6: memref<24x2048xf32, #tpu.memory_space<vmem>>, %arg7: memref<24x2048xf32, #tpu.memory_space<vmem>>, %arg8: memref<!tpu.dma_semaphore, #tpu.memory_space<semaphore_mem>>, %arg9: memref<!tpu.dma_semaphore, #tpu.memory_space<semaphore_mem>>) attributes {dimension_semantics = [#tpu.dimension_semantics<core_parallel>, #tpu.dimension_semantics<subcore_parallel>], iteration_bounds = array<i64: 2, 16>, scalar_prefetch = 0 : i64, scratch_operands = 5 : i64, tpu.core_type = #tpu.core_type<sc_vector_subcore>, window_params = [{transform_indices = #map}, {transform_indices = #map1}, {transform_indices = #map1}]} {
    %mul3A = arith.constant 2 : i32
    %mul3A_0 = arith.muli %arg1, %mul3A : i32
    %add3A = arith.addi %mul3A_0, %arg0 : i32
    %mul3A_1 = arith.constant 512 : i32
    %mul3A_2 = arith.muli %add3A, %mul3A_1 : i32
    "tpu.region"() ({
      %run_scoped3A = tpu.sem_alloc : memref<!tpu.dma_semaphore, #tpu.memory_space<semaphore_mem>>
      %dma_start3A_40 = tpu.memref_slice %arg2[%mul3A_2] : memref<16384xi32, #tpu.memory_space<hbm>> -> memref<512xi32, #tpu.memory_space<hbm>>
      %dma_start3A_41 = tpu.memref_slice %arg2[%mul3A_2] : memref<16384xi32, #tpu.memory_space<hbm>> -> memref<512xi32, #tpu.memory_space<hbm>>
      tpu.enqueue_dma source(%dma_start3A_41 : memref<512xi32, #tpu.memory_space<hbm>>) target(%arg5 : memref<512xi32, #tpu.memory_space<vmem>>) target_semaphore(%run_scoped3A : memref<!tpu.dma_semaphore, #tpu.memory_space<semaphore_mem>>)
      %dma_wait3A_42 = tpu.memref_slice %arg2[%mul3A_2] : memref<16384xi32, #tpu.memory_space<hbm>> -> memref<512xi32, #tpu.memory_space<hbm>>
      %dma_wait3A_43 = tpu.memref_slice %arg2[%mul3A_2] : memref<16384xi32, #tpu.memory_space<hbm>> -> memref<512xi32, #tpu.memory_space<hbm>>
      tpu.wait_dma2 semaphore(%run_scoped3A : memref<!tpu.dma_semaphore, #tpu.memory_space<semaphore_mem>>) src(%dma_wait3A_43 : memref<512xi32, #tpu.memory_space<hbm>>) dst(%arg5 : memref<512xi32, #tpu.memory_space<vmem>>)
      tpu.yield
    }) : () -> ()
    %dma_start3A = arith.constant 0 : i32
    %dma_start3A_3 = tpu.memref_slice %arg5[%dma_start3A] : memref<512xi32, #tpu.memory_space<vmem>> -> memref<24xi32, #tpu.memory_space<vmem>>
    %dma_start3A_4 = arith.constant 0 : i32
    %dma_start3A_5 = arith.constant 0 : i32
    %dma_start3A_6 = tpu.memref_slice %arg3[%dma_start3A_4, %dma_start3A_5] : memref<32000x2048xf32, #tpu.memory_space<hbm>> -> memref<32000x2048xf32, #tpu.memory_space<hbm>>
    tpu.enqueue_indirect_dma source(%dma_start3A_6 : memref<32000x2048xf32, #tpu.memory_space<hbm>>) target(%arg6 : memref<24x2048xf32, #tpu.memory_space<vmem>>) offsets(%dma_start3A_3 : memref<24xi32, #tpu.memory_space<vmem>>) semaphore(%arg8 : memref<!tpu.dma_semaphore, #tpu.memory_space<semaphore_mem>>)
    %scan3A = arith.constant 0 : i32
    %scan3A_7 = arith.constant 10 : i32
    %scan3A_8 = arith.addi %scan3A, %scan3A_7 : i32
    %scan3A_9 = arith.constant 1 : i32
    scf.for %scan3A_40 = %scan3A to %scan3A_8 step %scan3A_9  : i32 {
      %mul3A_41 = arith.constant 2 : i32
      %mul3A_42 = arith.muli %scan3A_40, %mul3A_41 : i32
      %add3A_43 = arith.constant 0 : i32
      %add3A_44 = arith.addi %add3A_43, %mul3A_42 : i32
      %dma_wait3A_45 = arith.constant 0 : i32
      %dma_wait3A_46 = arith.constant 0 : i32
      %dma_wait3A_47 = tpu.memref_slice %arg3[%dma_wait3A_45, %dma_wait3A_46] : memref<32000x2048xf32, #tpu.memory_space<hbm>> -> memref<24x2048xf32, #tpu.memory_space<hbm>>
      %dma_wait3A_48 = arith.constant 0 : i32
      %dma_wait3A_49 = arith.constant 0 : i32
      %dma_wait3A_50 = tpu.memref_slice %arg3[%dma_wait3A_48, %dma_wait3A_49] : memref<32000x2048xf32, #tpu.memory_space<hbm>> -> memref<24x2048xf32, #tpu.memory_space<hbm>>
      tpu.wait_dma2 semaphore(%arg8 : memref<!tpu.dma_semaphore, #tpu.memory_space<semaphore_mem>>) src(%dma_wait3A_50 : memref<24x2048xf32, #tpu.memory_space<hbm>>) dst(%arg6 : memref<24x2048xf32, #tpu.memory_space<vmem>>)
      %add3A_51 = arith.constant 1 : i32
      %add3A_52 = arith.addi %add3A_44, %add3A_51 : i32
      %mul3A_53 = arith.constant 24 : i32
      %mul3A_54 = arith.muli %add3A_52, %mul3A_53 : i32
      %dma_start3A_55 = tpu.memref_slice %arg5[%mul3A_54] : memref<512xi32, #tpu.memory_space<vmem>> -> memref<24xi32, #tpu.memory_space<vmem>>
      %dma_start3A_56 = arith.constant 0 : i32
      %dma_start3A_57 = arith.constant 0 : i32
      %dma_start3A_58 = tpu.memref_slice %arg3[%dma_start3A_56, %dma_start3A_57] : memref<32000x2048xf32, #tpu.memory_space<hbm>> -> memref<32000x2048xf32, #tpu.memory_space<hbm>>
      tpu.enqueue_indirect_dma source(%dma_start3A_58 : memref<32000x2048xf32, #tpu.memory_space<hbm>>) target(%arg7 : memref<24x2048xf32, #tpu.memory_space<vmem>>) offsets(%dma_start3A_55 : memref<24xi32, #tpu.memory_space<vmem>>) semaphore(%arg9 : memref<!tpu.dma_semaphore, #tpu.memory_space<semaphore_mem>>)
      %mul3A_59 = arith.constant 24 : i32
      %mul3A_60 = arith.muli %add3A_44, %mul3A_59 : i32
      %add3A_61 = arith.addi %mul3A_2, %mul3A_60 : i32
      "tpu.region"() ({
        %run_scoped3A = tpu.sem_alloc : memref<!tpu.dma_semaphore, #tpu.memory_space<semaphore_mem>>
        %dma_start3A_81 = arith.constant 0 : i32
        %dma_start3A_82 = tpu.memref_slice %arg4[%add3A_61, %dma_start3A_81] : memref<16384x2048xf32, #tpu.memory_space<hbm>> -> memref<24x2048xf32, #tpu.memory_space<hbm>>
        %dma_start3A_83 = arith.constant 0 : i32
        %dma_start3A_84 = tpu.memref_slice %arg4[%add3A_61, %dma_start3A_83] : memref<16384x2048xf32, #tpu.memory_space<hbm>> -> memref<24x2048xf32, #tpu.memory_space<hbm>>
        tpu.enqueue_dma source(%arg6 : memref<24x2048xf32, #tpu.memory_space<vmem>>) target(%dma_start3A_84 : memref<24x2048xf32, #tpu.memory_space<hbm>>) target_semaphore(%run_scoped3A : memref<!tpu.dma_semaphore, #tpu.memory_space<semaphore_mem>>)
        %dma_wait3A_85 = arith.constant 0 : i32
        %dma_wait3A_86 = tpu.memref_slice %arg4[%add3A_61, %dma_wait3A_85] : memref<16384x2048xf32, #tpu.memory_space<hbm>> -> memref<24x2048xf32, #tpu.memory_space<hbm>>
        %dma_wait3A_87 = arith.constant 0 : i32
        %dma_wait3A_88 = tpu.memref_slice %arg4[%add3A_61, %dma_wait3A_87] : memref<16384x2048xf32, #tpu.memory_space<hbm>> -> memref<24x2048xf32, #tpu.memory_space<hbm>>
        tpu.wait_dma2 semaphore(%run_scoped3A : memref<!tpu.dma_semaphore, #tpu.memory_space<semaphore_mem>>) src(%arg6 : memref<24x2048xf32, #tpu.memory_space<vmem>>) dst(%dma_wait3A_88 : memref<24x2048xf32, #tpu.memory_space<hbm>>)
        tpu.yield
      }) : () -> ()
      %dma_wait3A_62 = arith.constant 0 : i32
      %dma_wait3A_63 = arith.constant 0 : i32
      %dma_wait3A_64 = tpu.memref_slice %arg3[%dma_wait3A_62, %dma_wait3A_63] : memref<32000x2048xf32, #tpu.memory_space<hbm>> -> memref<24x2048xf32, #tpu.memory_space<hbm>>
      %dma_wait3A_65 = arith.constant 0 : i32
      %dma_wait3A_66 = arith.constant 0 : i32
      %dma_wait3A_67 = tpu.memref_slice %arg3[%dma_wait3A_65, %dma_wait3A_66] : memref<32000x2048xf32, #tpu.memory_space<hbm>> -> memref<24x2048xf32, #tpu.memory_space<hbm>>
      tpu.wait_dma2 semaphore(%arg9 : memref<!tpu.dma_semaphore, #tpu.memory_space<semaphore_mem>>) src(%dma_wait3A_67 : memref<24x2048xf32, #tpu.memory_space<hbm>>) dst(%arg7 : memref<24x2048xf32, #tpu.memory_space<vmem>>)
      %add3A_68 = arith.constant 2 : i32
      %add3A_69 = arith.addi %add3A_44, %add3A_68 : i32
      %mul3A_70 = arith.constant 24 : i32
      %mul3A_71 = arith.muli %add3A_69, %mul3A_70 : i32
      %dma_start3A_72 = tpu.memref_slice %arg5[%mul3A_71] : memref<512xi32, #tpu.memory_space<vmem>> -> memref<24xi32, #tpu.memory_space<vmem>>
      %dma_start3A_73 = arith.constant 0 : i32
      %dma_start3A_74 = arith.constant 0 : i32
      %dma_start3A_75 = tpu.memref_slice %arg3[%dma_start3A_73, %dma_start3A_74] : memref<32000x2048xf32, #tpu.memory_space<hbm>> -> memref<32000x2048xf32, #tpu.memory_space<hbm>>
      tpu.enqueue_indirect_dma source(%dma_start3A_75 : memref<32000x2048xf32, #tpu.memory_space<hbm>>) target(%arg6 : memref<24x2048xf32, #tpu.memory_space<vmem>>) offsets(%dma_start3A_72 : memref<24xi32, #tpu.memory_space<vmem>>) semaphore(%arg8 : memref<!tpu.dma_semaphore, #tpu.memory_space<semaphore_mem>>)
      %add3A_76 = arith.constant 1 : i32
      %add3A_77 = arith.addi %add3A_44, %add3A_76 : i32
      %mul3A_78 = arith.constant 24 : i32
      %mul3A_79 = arith.muli %add3A_77, %mul3A_78 : i32
      %add3A_80 = arith.addi %mul3A_2, %mul3A_79 : i32
      "tpu.region"() ({
        %run_scoped3A = tpu.sem_alloc : memref<!tpu.dma_semaphore, #tpu.memory_space<semaphore_mem>>
        %dma_start3A_81 = arith.constant 0 : i32
        %dma_start3A_82 = tpu.memref_slice %arg4[%add3A_80, %dma_start3A_81] : memref<16384x2048xf32, #tpu.memory_space<hbm>> -> memref<24x2048xf32, #tpu.memory_space<hbm>>
        %dma_start3A_83 = arith.constant 0 : i32
        %dma_start3A_84 = tpu.memref_slice %arg4[%add3A_80, %dma_start3A_83] : memref<16384x2048xf32, #tpu.memory_space<hbm>> -> memref<24x2048xf32, #tpu.memory_space<hbm>>
        tpu.enqueue_dma source(%arg7 : memref<24x2048xf32, #tpu.memory_space<vmem>>) target(%dma_start3A_84 : memref<24x2048xf32, #tpu.memory_space<hbm>>) target_semaphore(%run_scoped3A : memref<!tpu.dma_semaphore, #tpu.memory_space<semaphore_mem>>)
        %dma_wait3A_85 = arith.constant 0 : i32
        %dma_wait3A_86 = tpu.memref_slice %arg4[%add3A_80, %dma_wait3A_85] : memref<16384x2048xf32, #tpu.memory_space<hbm>> -> memref<24x2048xf32, #tpu.memory_space<hbm>>
        %dma_wait3A_87 = arith.constant 0 : i32
        %dma_wait3A_88 = tpu.memref_slice %arg4[%add3A_80, %dma_wait3A_87] : memref<16384x2048xf32, #tpu.memory_space<hbm>> -> memref<24x2048xf32, #tpu.memory_space<hbm>>
        tpu.wait_dma2 semaphore(%run_scoped3A : memref<!tpu.dma_semaphore, #tpu.memory_space<semaphore_mem>>) src(%arg7 : memref<24x2048xf32, #tpu.memory_space<vmem>>) dst(%dma_wait3A_88 : memref<24x2048xf32, #tpu.memory_space<hbm>>)
        tpu.yield
      }) : () -> ()
    }
    %scan3A_10 = arith.constant 10 : i32
    %dma_wait3A = arith.constant 0 : i32
    %dma_wait3A_11 = arith.constant 0 : i32
    %dma_wait3A_12 = tpu.memref_slice %arg3[%dma_wait3A, %dma_wait3A_11] : memref<32000x2048xf32, #tpu.memory_space<hbm>> -> memref<24x2048xf32, #tpu.memory_space<hbm>>
    %dma_wait3A_13 = arith.constant 0 : i32
    %dma_wait3A_14 = arith.constant 0 : i32
    %dma_wait3A_15 = tpu.memref_slice %arg3[%dma_wait3A_13, %dma_wait3A_14] : memref<32000x2048xf32, #tpu.memory_space<hbm>> -> memref<24x2048xf32, #tpu.memory_space<hbm>>
    tpu.wait_dma2 semaphore(%arg8 : memref<!tpu.dma_semaphore, #tpu.memory_space<semaphore_mem>>) src(%dma_wait3A_15 : memref<24x2048xf32, #tpu.memory_space<hbm>>) dst(%arg6 : memref<24x2048xf32, #tpu.memory_space<vmem>>)
    %dma_start3A_16 = arith.constant 0 : i32
    %dma_start3A_17 = arith.constant 0 : i32
    %dma_start3A_18 = tpu.memref_slice %arg7[%dma_start3A_16, %dma_start3A_17] : memref<24x2048xf32, #tpu.memory_space<vmem>> -> memref<8x2048xf32, #tpu.memory_space<vmem>>
    %dma_start3A_19 = arith.constant 504 : i32
    %dma_start3A_20 = tpu.memref_slice %arg5[%dma_start3A_19] : memref<512xi32, #tpu.memory_space<vmem>> -> memref<8xi32, #tpu.memory_space<vmem>>
    %dma_start3A_21 = arith.constant 0 : i32
    %dma_start3A_22 = arith.constant 0 : i32
    %dma_start3A_23 = tpu.memref_slice %arg3[%dma_start3A_21, %dma_start3A_22] : memref<32000x2048xf32, #tpu.memory_space<hbm>> -> memref<32000x2048xf32, #tpu.memory_space<hbm>>
    tpu.enqueue_indirect_dma source(%dma_start3A_23 : memref<32000x2048xf32, #tpu.memory_space<hbm>>) target(%dma_start3A_18 : memref<8x2048xf32, #tpu.memory_space<vmem>>) offsets(%dma_start3A_20 : memref<8xi32, #tpu.memory_space<vmem>>) semaphore(%arg9 : memref<!tpu.dma_semaphore, #tpu.memory_space<semaphore_mem>>)
    %add3A_24 = arith.constant 480 : i32
    %add3A_25 = arith.addi %mul3A_2, %add3A_24 : i32
    "tpu.region"() ({
      %run_scoped3A = tpu.sem_alloc : memref<!tpu.dma_semaphore, #tpu.memory_space<semaphore_mem>>
      %dma_start3A_40 = arith.constant 0 : i32
      %dma_start3A_41 = tpu.memref_slice %arg4[%add3A_25, %dma_start3A_40] : memref<16384x2048xf32, #tpu.memory_space<hbm>> -> memref<24x2048xf32, #tpu.memory_space<hbm>>
      %dma_start3A_42 = arith.constant 0 : i32
      %dma_start3A_43 = tpu.memref_slice %arg4[%add3A_25, %dma_start3A_42] : memref<16384x2048xf32, #tpu.memory_space<hbm>> -> memref<24x2048xf32, #tpu.memory_space<hbm>>
      tpu.enqueue_dma source(%arg6 : memref<24x2048xf32, #tpu.memory_space<vmem>>) target(%dma_start3A_43 : memref<24x2048xf32, #tpu.memory_space<hbm>>) target_semaphore(%run_scoped3A : memref<!tpu.dma_semaphore, #tpu.memory_space<semaphore_mem>>)
      %dma_wait3A_44 = arith.constant 0 : i32
      %dma_wait3A_45 = tpu.memref_slice %arg4[%add3A_25, %dma_wait3A_44] : memref<16384x2048xf32, #tpu.memory_space<hbm>> -> memref<24x2048xf32, #tpu.memory_space<hbm>>
      %dma_wait3A_46 = arith.constant 0 : i32
      %dma_wait3A_47 = tpu.memref_slice %arg4[%add3A_25, %dma_wait3A_46] : memref<16384x2048xf32, #tpu.memory_space<hbm>> -> memref<24x2048xf32, #tpu.memory_space<hbm>>
      tpu.wait_dma2 semaphore(%run_scoped3A : memref<!tpu.dma_semaphore, #tpu.memory_space<semaphore_mem>>) src(%arg6 : memref<24x2048xf32, #tpu.memory_space<vmem>>) dst(%dma_wait3A_47 : memref<24x2048xf32, #tpu.memory_space<hbm>>)
      tpu.yield
    }) : () -> ()
    %dma_wait3A_26 = arith.constant 0 : i32
    %dma_wait3A_27 = arith.constant 0 : i32
    %dma_wait3A_28 = tpu.memref_slice %arg7[%dma_wait3A_26, %dma_wait3A_27] : memref<24x2048xf32, #tpu.memory_space<vmem>> -> memref<8x2048xf32, #tpu.memory_space<vmem>>
    %dma_wait3A_29 = arith.constant 0 : i32
    %dma_wait3A_30 = arith.constant 0 : i32
    %dma_wait3A_31 = tpu.memref_slice %arg3[%dma_wait3A_29, %dma_wait3A_30] : memref<32000x2048xf32, #tpu.memory_space<hbm>> -> memref<8x2048xf32, #tpu.memory_space<hbm>>
    %dma_wait3A_32 = arith.constant 0 : i32
    %dma_wait3A_33 = arith.constant 0 : i32
    %dma_wait3A_34 = tpu.memref_slice %arg7[%dma_wait3A_32, %dma_wait3A_33] : memref<24x2048xf32, #tpu.memory_space<vmem>> -> memref<8x2048xf32, #tpu.memory_space<vmem>>
    %dma_wait3A_35 = arith.constant 0 : i32
    %dma_wait3A_36 = arith.constant 0 : i32
    %dma_wait3A_37 = tpu.memref_slice %arg3[%dma_wait3A_35, %dma_wait3A_36] : memref<32000x2048xf32, #tpu.memory_space<hbm>> -> memref<8x2048xf32, #tpu.memory_space<hbm>>
    tpu.wait_dma2 semaphore(%arg9 : memref<!tpu.dma_semaphore, #tpu.memory_space<semaphore_mem>>) src(%dma_wait3A_37 : memref<8x2048xf32, #tpu.memory_space<hbm>>) dst(%dma_wait3A_34 : memref<8x2048xf32, #tpu.memory_space<vmem>>)
    %add3A_38 = arith.constant 504 : i32
    %add3A_39 = arith.addi %mul3A_2, %add3A_38 : i32
    "tpu.region"() ({
      %run_scoped3A = tpu.sem_alloc : memref<!tpu.dma_semaphore, #tpu.memory_space<semaphore_mem>>
      %dma_start3A_40 = arith.constant 0 : i32
      %dma_start3A_41 = arith.constant 0 : i32
      %dma_start3A_42 = tpu.memref_slice %arg7[%dma_start3A_40, %dma_start3A_41] : memref<24x2048xf32, #tpu.memory_space<vmem>> -> memref<8x2048xf32, #tpu.memory_space<vmem>>
      %dma_start3A_43 = arith.constant 0 : i32
      %dma_start3A_44 = tpu.memref_slice %arg4[%add3A_39, %dma_start3A_43] : memref<16384x2048xf32, #tpu.memory_space<hbm>> -> memref<8x2048xf32, #tpu.memory_space<hbm>>
      %dma_start3A_45 = arith.constant 0 : i32
      %dma_start3A_46 = tpu.memref_slice %arg4[%add3A_39, %dma_start3A_45] : memref<16384x2048xf32, #tpu.memory_space<hbm>> -> memref<8x2048xf32, #tpu.memory_space<hbm>>
      %dma_start3A_47 = arith.constant 0 : i32
      %dma_start3A_48 = arith.constant 0 : i32
      %dma_start3A_49 = tpu.memref_slice %arg7[%dma_start3A_47, %dma_start3A_48] : memref<24x2048xf32, #tpu.memory_space<vmem>> -> memref<8x2048xf32, #tpu.memory_space<vmem>>
      tpu.enqueue_dma source(%dma_start3A_49 : memref<8x2048xf32, #tpu.memory_space<vmem>>) target(%dma_start3A_46 : memref<8x2048xf32, #tpu.memory_space<hbm>>) target_semaphore(%run_scoped3A : memref<!tpu.dma_semaphore, #tpu.memory_space<semaphore_mem>>)
      %dma_wait3A_50 = arith.constant 0 : i32
      %dma_wait3A_51 = arith.constant 0 : i32
      %dma_wait3A_52 = tpu.memref_slice %arg7[%dma_wait3A_50, %dma_wait3A_51] : memref<24x2048xf32, #tpu.memory_space<vmem>> -> memref<8x2048xf32, #tpu.memory_space<vmem>>
      %dma_wait3A_53 = arith.constant 0 : i32
      %dma_wait3A_54 = tpu.memref_slice %arg4[%add3A_39, %dma_wait3A_53] : memref<16384x2048xf32, #tpu.memory_space<hbm>> -> memref<8x2048xf32, #tpu.memory_space<hbm>>
      %dma_wait3A_55 = arith.constant 0 : i32
      %dma_wait3A_56 = tpu.memref_slice %arg4[%add3A_39, %dma_wait3A_55] : memref<16384x2048xf32, #tpu.memory_space<hbm>> -> memref<8x2048xf32, #tpu.memory_space<hbm>>
      %dma_wait3A_57 = arith.constant 0 : i32
      %dma_wait3A_58 = arith.constant 0 : i32
      %dma_wait3A_59 = tpu.memref_slice %arg7[%dma_wait3A_57, %dma_wait3A_58] : memref<24x2048xf32, #tpu.memory_space<vmem>> -> memref<8x2048xf32, #tpu.memory_space<vmem>>
      tpu.wait_dma2 semaphore(%run_scoped3A : memref<!tpu.dma_semaphore, #tpu.memory_space<semaphore_mem>>) src(%dma_wait3A_59 : memref<8x2048xf32, #tpu.memory_space<vmem>>) dst(%dma_wait3A_56 : memref<8x2048xf32, #tpu.memory_space<hbm>>)
      tpu.yield
    }) : () -> ()
    return
  }
}

</mosaic_0001>

<sc_bundles>
// kernel: kernel.3.cloned.1.call-start
scs
__scs_entry_jumppad:
0x0: {  	(pc) =	sbr.rel $0x88, $3  }
0x1: {  	(tag) =	ssettag $0x0;
	lr =	simm.s32 $0x1  }
0x2: {  	[smem:$0x3F9D] =	sst lr;
	_ =	strace $0xD0000000  }
0x3: {  	_ = 	snop  }
0x4: {  	_ = 	snop  }
0x5: {  	_ = 	snop  }
0x6: {  	_ = 	snop  }
0x7: {  	_ = 	snop  }
__scs_overlays_trampoline_lowered:
0x8: {  	[smem:$0x3FAC] =	sst s0  }
0x9: {  	[smem:$0x3FAD] =	sst s1  }
0xa: {  	[smem:$0x3FAE] =	sst s2  }
0xb: {  	[smem:$0x3FAF] =	sst s3  }
0xc: {  	[smem:$0x3FB0] =	sst s4  }
0xd: {  	[smem:$0x3FB1] =	sst s5  }
0xe: {  	[smem:$0x3FB2] =	sst s6  }
0xf: {  	[smem:$0x3FB3] =	sst s7  }
0x10: {  	[smem:$0x3FB4] =	sst s8  }
0x11: {  	[smem:$0x3FB5] =	sst s9;
	s0 =	simm.s32 @!p0 $0x0  }
0x12: {  	s1 =	sld [smem:$0x3F9B];
	s0 =	simm.s32 @p0 $0x1  }
0x13: {  	[smem:$0x3FB6] =	sst s0;
	s0 =	simm.s32 @!p1 $0x0  }
0x14: {  	s2 =	sld [smem:$0x3F9A];
	s0 =	simm.s32 @p1 $0x1  }
0x15: {  	[smem:$0x3FB7] =	sst s0;
	s0 =	simm.s32 @!p2 $0x0  }
0x16: {  	s3 =	sld [smem:$0x3FDB];
	s0 =	simm.s32 @p2 $0x1  }
0x17: {  	s4 =	simm.s32 $0x1BF5;
	[smem:$0x3FB9] =	sst s0  }
0x18: {  	s0 =	sld [smem:$0x3F9C];
	_ =	swait.ge [sflag:s4], $0x0  }
0x19: {  	s7 =	sld [smem:$0x3F9D]  }
0x1a: {  	s8 =	sadd.s32 $0xFFFFE003, lr  }
0x1b: {  	s9 =	sadd.s32 $0xFFFFFEF7, lr;
	s5 =	simm.s32 $0xFFFFFFFF;
	p2 =	slt.u32 s8, $0xFFFFF086  }
0x1c: {  	p1 =	slt.u32 s9, $0xF7A;
	s5 =	simm.s32 @!p2 $0x0  }
0x1d: {  	s5 =	simm.s32 @p1 $0x1;
	p0 =	seq.s32 s7, s2  }
0x1e: {  	s7 =	smul.u32 @!p0 $0xF7A, s2;
	p2 =	seq.s32 @!p0 s5, $0x0  }
0x1f: {  	s9 =	smul.u32 $0xF7A, s1;
	s8 =	simm.s32 @!p0 $0x1BF5;
	p2 =	por !p2, p0  }
0x20: {  	[sflag:s8] =	ssyncset.s32 @!p0 $0xFFFFF086;
	s6 =	sadd.s32 @!p0 s3, s7;
	s7 =	simm.s32 @!p0 $0x108  }
0x21: {  	s3 =	sadd.s32 s3, s9;
	s6 =	sadd.s32 @!p0 $0x88, s6;
	s7 =	simm.s32 @p2 $0x1082  }
0x22: {  	[simem:s7], [sflag:s8] =	dma.local @!p0 [hbm:s6], $0xF7A  }
0x23: {  	s9 =	sor.u32 $0xD0000000, s2;
	s6 =	simm.s32 $0x108;
	_ =	swait.ge @!p0 [sflag:s8], $0x0  }
0x24: {  	s3 =	sadd.s32 $0x88, s3;
	s6 =	simm.s32 @!p1 $0x1082;
	[sflag:s4] =	ssyncset.s32 $0xFFFFF086  }
0x25: {  	[simem:s6], [sflag:s4] =	dma.local [hbm:s3], $0xF7A  }
0x26: {  	[smem:$0x3F9D] =	sst s1;
	(tag) =	ssettag s2;
	_ =	strace s9  }
0x27: {  	s1 =	sld [smem:$0x3FAD]  }
0x28: {  	s2 =	sld [smem:$0x3FAE]  }
0x29: {  	s4 =	sld [smem:$0x3FB0]  }
0x2a: {  	p0 =	seq.s32 s5, $0x0;
	s5 =	sld [smem:$0x3FB1]  }
0x2b: {  	s6 =	sld [smem:$0x3FB2]  }
0x2c: {  	s7 =	sld [smem:$0x3FB3]  }
0x2d: {  	s3 =	simm.s32 $0x108;
	s8 =	sld [smem:$0x3FB4]  }
0x2e: {  	s3 =	simm.s32 @!p0 $0x1082;
	s9 =	sld [smem:$0x3FB5]  }
0x2f: {  	lr =	sadd.s32 s0, s3;
	s0 =	sld [smem:$0x3FAC]  }
0x30: {  	s3 =	sld [smem:$0x3FAF]  }
0x31: {  	[smem:$0x3FB8] =	sst s10  }
0x32: {  	s10 =	sld [smem:$0x3FB6];
	_ =	sdelay $0x3  }
0x33: {  	p0 =	seq.s32 s10, $0x1;
	s10 =	sld [smem:$0x3FB8];
	_ =	sdelay $0x3  }
0x34: {  	[smem:$0x3FB8] =	sst s10  }
0x35: {  	s10 =	sld [smem:$0x3FB7];
	_ =	sdelay $0x3  }
0x36: {  	p1 =	seq.s32 s10, $0x1;
	s10 =	sld [smem:$0x3FB8];
	_ =	sdelay $0x3  }
0x37: {  	[smem:$0x3FB8] =	sst s10  }
0x38: {  	s10 =	sld [smem:$0x3FB9]  }
0x39: {  	_ = 	snop;
	(pc) =	sbr.ind lr, $3  }
0x3a: {  	_ = 	snop  }
0x3b: {  	_ = 	snop  }
0x3c: {  	p2 =	seq.s32 s10, $0x1;
	s10 =	sld [smem:$0x3FB8]  }
0x3d: {  	_ =	shalt  }
0x3e: {  	_ =	shalt  }
0x3f: {  	_ =	shalt  }
0x40: {  	_ =	shalt  }
0x41: {  	_ =	shalt  }
0x42: {  	_ =	shalt  }
0x43: {  	_ =	shalt  }
0x44: {  	_ =	shalt  }
0x45: {  	_ =	shalt  }
0x46: {  	_ =	shalt  }
0x47: {  	_ =	shalt  }
0x48: {  	_ =	shalt  }
0x49: {  	_ =	shalt  }
0x4a: {  	_ =	shalt  }
0x4b: {  	_ =	shalt  }
0x4c: {  	_ =	shalt  }
0x4d: {  	_ =	shalt  }
0x4e: {  	_ =	shalt  }
0x4f: {  	_ =	shalt  }
0x50: {  	_ =	shalt  }
0x51: {  	_ =	shalt  }
0x52: {  	_ =	shalt  }
0x53: {  	_ =	shalt  }
0x54: {  	_ =	shalt  }
0x55: {  	_ =	shalt  }
0x56: {  	_ =	shalt  }
0x57: {  	_ =	shalt  }
0x58: {  	_ =	shalt  }
0x59: {  	_ =	shalt  }
0x5a: {  	_ =	shalt  }
0x5b: {  	_ =	shalt  }
0x5c: {  	_ =	shalt  }
0x5d: {  	_ =	shalt  }
0x5e: {  	_ =	shalt  }
0x5f: {  	_ =	shalt  }
0x60: {  	_ =	shalt  }
0x61: {  	_ =	shalt  }
0x62: {  	_ =	shalt  }
0x63: {  	_ =	shalt  }
0x64: {  	_ =	shalt  }
0x65: {  	_ =	shalt  }
0x66: {  	_ =	shalt  }
0x67: {  	_ =	shalt  }
0x68: {  	_ =	shalt  }
0x69: {  	_ =	shalt  }
0x6a: {  	_ =	shalt  }
0x6b: {  	_ =	shalt  }
0x6c: {  	_ =	shalt  }
0x6d: {  	_ =	shalt  }
0x6e: {  	_ =	shalt  }
0x6f: {  	_ =	shalt  }
0x70: {  	_ =	shalt  }
0x71: {  	_ =	shalt  }
0x72: {  	_ =	shalt  }
0x73: {  	_ =	shalt  }
0x74: {  	_ =	shalt  }
0x75: {  	_ =	shalt  }
0x76: {  	_ =	shalt  }
0x77: {  	_ =	shalt  }
0x78: {  	_ =	shalt  }
0x79: {  	_ =	shalt  }
0x7a: {  	_ =	shalt  }
0x7b: {  	_ =	shalt  }
0x7c: {  	_ =	shalt  }
0x7d: {  	_ =	shalt  }
0x7e: {  	_ =	shalt  }
0x7f: {  	_ =	shalt  }
0x80: {  	_ =	shalt  }
0x81: {  	_ =	shalt  }
0x82: {  	_ =	shalt  }
0x83: {  	_ =	shalt  }
0x84: {  	_ =	shalt  }
0x85: {  	_ =	shalt  }
0x86: {  	_ =	shalt  }
0x87: {  	_ =	shalt  }
.Lfunc_end0:
.L_simem_size_0:
called_computation_lowered:
.L_overlay_start_0:
0x88: {  	s2 =	sld [smem:$0x3FD9]  }
0x89: {  	s3 =	sld [smem:$0x3FFE];
	_ =	sdelay $0x1  }
0x8a: {  	s1 =	srdreg.scid  }
0x8b: {  	s0 =	sand.u32 $0x1, s1  }
0x8c: {  	s15 =	sshll.u32 s0, $0xA;
	s2 =	sadd.s32 s3, s2  }
0x8d: {  	s2 =	sadd.s32 s2, s15  }
0x8e: {  	[smem:$0x3FC4] =	sst s2  }
0x8f: {  	_ = 	snop  }
0x90: {  	s2 =	sld [smem:$0x3FD0];
	_ =	sdelay $0x1  }
0x91: {  	s16 =	sld [smem:$0x3FC9]  }
0x92: {  	s5 =	simm.s32 $0xA;
	s6 =	simm.s32 $0x10;
	s4 =	sld [smem:$0x3FC7]  }
0x93: {  	[smem:s6], [sflag:s5] =	dma.local [hbm:s2], $0x1  }
0x94: {  	_ =	swait.eq [sflag:s5], $0x1  }
0x95: {  	[sflag:s5] =	ssyncset.done $0x0  }
0x96: {  	[sflag:s5] =	ssyncadd.s32 $0xFFFFFFFF  }
0x97: {  	s17 =	sld [smem:$0x12];
	(tm) =	ssettm $0x1  }
0x98: {  	s18 =	sld [smem:$0x3FFB];
	_ =	sdelay $0x3  }
0x99: {  	_ =	strace s18  }
0x9a: {  	s5 =	sld [smem:$0x3FFC];
	_ =	sdelay $0x3  }
0x9b: {  	_ =	strace s5  }
0x9c: {  	s5 =	sld [smem:$0x3FFD];
	_ =	sdelay $0x3  }
0x9d: {  	_ =	strace s5  }
0x9e: {  	_ =	strace $0x8FFFFFFF  }
0x9f: {  	s19 =	sld [smem:$0x3FDB];
	_ =	sdelay $0x1  }
0xa0: {  	s20 =	simm.s32 $_scs_section_size  }
0xa1: {  	s7 =	simm.s32 $_size__tile_overlayer_lowered;
	s8 =	simm.s32 $_tile_overlayer_lowered  }
0xa2: {  	s23 =	simm.s32 $0x1BFF;
	s22 =	sshll.u32 s8, $0x1;
	s5 =	sadd.s32 s20, s19  }
0xa3: {  	s9 =	simm.s32 $0x0;
	s21 =	sshll.u32 s7, $0x1;
	s7 =	sadd.s32 s22, s5  }
0xa4: {  	[timem:s9], [sflag:s23] =	dma.local [hbm:s7], s21  }
0xa5: {  	_ =	swait.ge [sflag:s23], s21  }
0xa6: {  	s6 =	ssub.s32 $0x0, s21;
	[sflag:s23] =	ssyncset.done $0x0  }
0xa7: {  	[sflag:s23] =	ssyncadd.s32 s6;
	_ =	sdelay $0x1  }
0xa8: {  	s24 =	simm.s32 $0x1B8B  }
0xa9: {  	_ =	swait.ge [sflag:s24], $0x1  }
0xaa: {  	[sflag:s24] =	ssyncset.done $0x0  }
0xab: {  	s25 =	simm.s32 $0x1B8E;
	[sflag:s24] =	ssyncadd.s32 $0xFFFFFFFF  }
0xac: {  	s26 =	simm.s32 $execute0_lowered;
	[smem:$0x3FD2] =	sst s25  }
0xad: {  	s6 =	sshll.u32 s26, $0x1;
	_ =	strace $0x80000046;
	[dreg:$0x1] =	wrdreg $0xFFFFFFFF  }
0xae: {  	s28 =	simm.s32 $_size_execute0_lowered;
	s5 =	sadd.s32 s5, s6;
	[dreg:$0x0] =	wrdreg $0x0  }
0xaf: {  	s6 =	sshll.u32 s28, $0x1;
	[dreg:$0x2] =	wrdreg s5  }
0xb0: {  	[dreg:$0x3] =	wrdreg s6  }
0xb1: {  	[dreg:$0x4] =	wrdreg $0xC0  }
0xb2: {  	_ =	task [dreg:s9], $0x5FFFF  }
0xb3: {  	[dreg:$0x1] =	wrdreg $0xFFFFFFFF  }
0xb4: {  	[dreg:$0x0] =	wrdreg $0x60  }
0xb5: {  	[dreg:$0x2] =	wrdreg s16  }
0xb6: {  	[dreg:$0x3] =	wrdreg s4  }
0xb7: {  	[dreg:$0x4] =	wrdreg s17  }
0xb8: {  	[dreg:$0x5] =	wrdreg $0x9  }
0xb9: {  	_ =	task.clear_ibuf [dreg:s9], $0x6FFFF;
	_ =	strace $0x90000046  }
0xba: {  	s29 =	simm.s32 $0x9;
	_ =	strace $0x80000048  }
0xbb: {  	_ =	swait.ge [sflag:s29], $0x1  }
0xbc: {  	[sflag:s29] =	ssyncadd.s32 $0xFFFFFFFF  }
0xbd: {  	_ =	strace $0x90000048  }
0xbe: {  	_ =	sfence  }
0xbf: {  	s30 =	sld [smem:$0x0];
	_ =	sdelay $0x2  }
0xc0: {  	s31 =	sshll.u32 s1, $0xD;
	s1 =	sshrl.u32 s1, $0x2  }
0xc1: {  	s3 =	sand.u32 $0x4000, s31;
	s1 =	sadd.s32 s1, s30  }
0xc2: {  	s0 =	sor.u32 s3, s0;
	s1 =	sshll.u32 s1, $0x11  }
0xc3: {  	s0 =	sor.u32 s1, s0  }
0xc4: {  	s0 =	sadd.s32 $0x8F2B, s0  }
0xc5: {  	[sflag:s0] =	ssyncadd.remote.s32 $0x1  }
0xc6: {  	_ =	sfence.sel $0xFFFF  }
0xc7: {  	[dreg:$0x0] =	wrdreg $0xFFFFFFFF;
	(pc) =	sbr.abs _section_cstart, $3  }
0xc8: {  	[dreg:$0x1] =	wrdreg $0xFFFFFFFF  }
0xc9: {  	_ =	task.clear_ibuf [dreg:s9], $0x2FFFF;
	_ =	strace $0x9FFFFFFF  }
0xca: {  	(tm) =	ssettm $0x7FFFFFFF  }
0xcb: {  	_ =	shalt  }
tec
execute0_lowered:
.L_overlay_start_1:
0x0: {  	(tag) =	ssettag $0x1  }
0x1: {  	s0 =	rddreg [dreg:$0x0]  }
0x2: {  	s2 =	rddreg [dreg:$0x1]  }
0x3: {  	s1 =	rddreg [dreg:$0x2]  }
0x4: {  	s3 =	srdreg.scid;
	s8 =	stileid.u32;
	s23 =	simm.s32 $0x10200  }
0x5: {  	s25 =	simm.s32 $0x10A00;
	s26 =	simm.s32 $0x11200;
	s14 =	simm.s32 $0x12200  }
0x6: {  	s16 =	simm.s32 $0x12A00;
	s17 =	simm.s32 $0x13200;
	s18 =	simm.s32 $0x13A00  }
0x7: {  	s19 =	simm.s32 $0x14200;
	s4 =	sand.u32 $0x1, s3;
	s3 =	simm.s32 $0x0  }
0x8: {  	s20 =	simm.s32 $0x14A00;
	s28 =	simm.s32 $0x7200;
	[smem:$0x7FF] =	sst s3  }
0x9: {  	s29 =	simm.s32 $0x7A00;
	_ =	strace $0x80000047;
	[dreg:$0x5] =	wrdreg s23  }
0xa: {  	s31 =	simm.s32 $0x8200;
	s30 =	simm.s32 $0x2;
	[dreg:$0x6] =	wrdreg s25  }
0xb: {  	s5 =	sshll.u32 s8, $0xA;
	s22 =	sshll.u32 s8, $0x12;
	[dreg:$0x7] =	wrdreg s26  }
0xc: {  	s8 =	sadd.s32 $0x400, s2;
	s9 =	sadd.s32 $0x500, s2;
	[dreg:$0x9] =	wrdreg s14  }
0xd: {  	s10 =	sadd.s32 $0x600, s2;
	s11 =	sadd.s32 $0x700, s2;
	[dreg:$0xa] =	wrdreg s16  }
0xe: {  	s6 =	sshll.u32 s4, $0x9;
	s7 =	ssub.s32 $0x2, s4;
	[dreg:$0xb] =	wrdreg s17  }
0xf: {  	s4 =	sshll.u32 s4, $0x11;
	s12 =	sor.u32 s6, s5;
	[dreg:$0xc] =	wrdreg s18  }
0x10: {  	s21 =	sshrl.u32 s7, $0x1;
	s5 =	sadd.s32 $0x100, s2;
	[dreg:$0xd] =	wrdreg s19  }
0x11: {  	s16 =	simm.s32 $0x200;
	[dreg:$0xe] =	wrdreg s20;
	s14 =	simm.s32 $0x2A00  }
0x12: {  	s23 =	simm.s32 $0x16200;
	s17 =	simm.s32 $0x3200;
	s18 =	simm.s32 $0x3A00  }
0x13: {  	s25 =	simm.s32 $0x17200;
	s19 =	simm.s32 $0x4200;
	s26 =	simm.s32 $0x17A00  }
0x14: {  	s20 =	simm.s32 $0x1;
	s6 =	sshrl.u32 s12, $0x3;
	s13 =	ssub.s32 s7, s21  }
0x15: {  	s7 =	sadd.s32 $0x300, s2;
	s24 =	sshll.u32 s12, $0x8;
	[dreg:$0x11] =	wrdreg s23  }
0x16: {  	s12 =	simm.s32 $0x11A00;
	s21 =	simm.s32 $0x15200;
	[dreg:$0x13] =	wrdreg s25  }
0x17: {  	[dreg:$0x14] =	wrdreg s26;
	s23 =	simm.s32 $0x5200;
	s25 =	simm.s32 $0x6200  }
0x18: {  	s26 =	simm.s32 $0x6A00;
	s0 =	sadd.s32 s0, s6;
	[dreg:$0x8] =	wrdreg s12  }
0x19: {  	s6 =	sadd.s32 $0x200, s2;
	s15 =	smax.u32 s13, $0x1;
	[dreg:$0xf] =	wrdreg s21  }
0x1a: {  	s12 =	simm.s32 $0x1A00;
	s13 =	simm.s32 $0x2200;
	[dreg:$0x15] =	wrdreg s0  }
0x1b: {  	s0 =	sadd.s32 s22, s1;
	[dreg:$0x18] =	wrdreg s15;
	s22 =	simm.s32 $0x15A00  }
0x1c: {  	s1 =	sadd.s32 s24, s1;
	s24 =	simm.s32 $0x16A00;
	[dreg:$0x10] =	wrdreg s22  }
0x1d: {  	s21 =	simm.s32 $0xC200;
	s0 =	sadd.s32 s4, s0;
	[dreg:$0x12] =	wrdreg s24  }
0x1e: {  	s15 =	simm.s32 $0x3;
	s4 =	sadd.s32 $0x1E000, s1;
	[dreg:$0x4] =	wrdreg s0  }
0x1f: {  	v2 =	vlaneseq.u32;
	s1 =	sadd.s32 $0x1F800, s1;
	s22 =	simm.s32 $0x4A00;
	[dreg:$0x16] =	wrdreg s4  }
0x20: {  	vm0 =	vmmov $0xffff;
	v1 =	vshrl.u32 v2, $0x3;
	s24 =	simm.s32 $0x5A00;
	[dreg:$0x17] =	wrdreg s1;
	s0 =	simm.s32 $0x0  }
0x21: {  	v0 =	vand.u32 $0x7, v2;
	v2 =	vor.u32 $0x8, v2;
	v1 =	vmul.u32 $0x8, v1;
	s4 =	simm.s32 $0xA00;
	s1 =	simm.s32 $0x1200;
	[dreg:$0x19] =	wrdreg s0  }
.LBB2_1:
0x22: {  	s0 =	rddreg [dreg:$0x15]  }
0x23: {  	[tilespmem:s3], [sflag:$0x3] =	stream.linear.gather [hbm4b:s0+s3], $0x200, $0x38;
	[tilespmem:$0x18200] =	vst v63  }
0x24: {  	_ =	swait.ge [sflag:s15], $0x200  }
0x25: {  	[sflag:s15] =	ssyncset.done $0x0  }
0x26: {  	[sflag:s15] =	ssyncadd.s32 $0xFFFFFE00  }
0x27: {  	v3 =	vld [tilespmem:$0x0];
	_ =	sdelay $0x4  }
0x28: {  	v4 =	vshll.u32 v3, $0x4  }
0x29: {  	v3 =	vand.u32 $0x7, v3;
	v4 =	vand.u32 $0xFFFFFF80, v4  }
0x2a: {  	v3 =	vor.u32 v3, v4  }
0x2b: {  	v4 =	vperm.xlane v3, v0;
	_ =	sdelay $0x1  }
0x2c: {  	v4 =	vadd.s32 v1, v4;
	_ =	sdelay $0x4  }
0x2d: {  	[tilespmem:s16], [sflag:$0x1] =	stream.indirect_vreg.gather [hbm4b:s2+s3], $0x80, v4, vm0, $0xb8;
	[tilespmem:$0x18200] =	vst v63  }
0x2e: {  	_ = 	snop  }
0x2f: {  	[tilespmem:s4], [sflag:$0x1] =	stream.indirect_vreg.gather [hbm4b:s5+s3], $0x80, v4, vm0, $0xb8;
	[tilespmem:$0x18200] =	vst v63  }
0x30: {  	_ = 	snop  }
0x31: {  	[tilespmem:s1], [sflag:$0x1] =	stream.indirect_vreg.gather [hbm4b:s6+s3], $0x80, v4, vm0, $0xb8;
	[tilespmem:$0x18200] =	vst v63  }
0x32: {  	_ = 	snop  }
0x33: {  	[tilespmem:s12], [sflag:$0x1] =	stream.indirect_vreg.gather [hbm4b:s7+s3], $0x80, v4, vm0, $0xb8;
	[tilespmem:$0x18200] =	vst v63  }
0x34: {  	_ = 	snop  }
0x35: {  	[tilespmem:s13], [sflag:$0x1] =	stream.indirect_vreg.gather [hbm4b:s8+s3], $0x80, v4, vm0, $0xb8;
	[tilespmem:$0x18200] =	vst v63  }
0x36: {  	v3 =	vperm.xlane v3, v2  }
0x37: {  	[tilespmem:s14], [sflag:$0x1] =	stream.indirect_vreg.gather [hbm4b:s9+s3], $0x80, v4, vm0, $0xb8;
	[tilespmem:$0x18200] =	vst v63  }
0x38: {  	v3 =	vadd.s32 v1, v3  }
0x39: {  	[tilespmem:s17], [sflag:$0x1] =	stream.indirect_vreg.gather [hbm4b:s10+s3], $0x80, v4, vm0, $0xb8;
	[tilespmem:$0x18200] =	vst v63  }
0x3a: {  	_ = 	snop  }
0x3b: {  	[tilespmem:s18], [sflag:$0x1] =	stream.indirect_vreg.gather [hbm4b:s11+s3], $0x80, v4, vm0, $0xb8;
	[tilespmem:$0x18200] =	vst v63  }
0x3c: {  	_ = 	snop  }
0x3d: {  	[tilespmem:s19], [sflag:$0x1] =	stream.indirect_vreg.gather [hbm4b:s2+s3], $0x80, v3, vm0, $0xb8;
	[tilespmem:$0x18200] =	vst v63  }
0x3e: {  	_ = 	snop  }
0x3f: {  	[tilespmem:s22], [sflag:$0x1] =	stream.indirect_vreg.gather [hbm4b:s5+s3], $0x80, v3, vm0, $0xb8;
	[tilespmem:$0x18200] =	vst v63  }
0x40: {  	_ = 	snop  }
0x41: {  	[tilespmem:s23], [sflag:$0x1] =	stream.indirect_vreg.gather [hbm4b:s6+s3], $0x80, v3, vm0, $0xb8;
	[tilespmem:$0x18200] =	vst v63  }
0x42: {  	_ = 	snop  }
0x43: {  	[tilespmem:s24], [sflag:$0x1] =	stream.indirect_vreg.gather [hbm4b:s7+s3], $0x80, v3, vm0, $0xb8;
	[tilespmem:$0x18200] =	vst v63  }
0x44: {  	_ = 	snop  }
0x45: {  	[tilespmem:s25], [sflag:$0x1] =	stream.indirect_vreg.gather [hbm4b:s8+s3], $0x80, v3, vm0, $0xb8;
	[tilespmem:$0x18200] =	vst v63  }
0x46: {  	_ = 	snop  }
0x47: {  	[tilespmem:s26], [sflag:$0x1] =	stream.indirect_vreg.gather [hbm4b:s9+s3], $0x80, v3, vm0, $0xb8;
	[tilespmem:$0x18200] =	vst v63  }
0x48: {  	_ = 	snop  }
0x49: {  	[tilespmem:s28], [sflag:$0x1] =	stream.indirect_vreg.gather [hbm4b:s10+s3], $0x80, v3, vm0, $0xb8;
	[tilespmem:$0x18200] =	vst v63  }
0x4a: {  	_ = 	snop  }
0x4b: {  	[tilespmem:s29], [sflag:$0x1] =	stream.indirect_vreg.gather [hbm4b:s11+s3], $0x80, v3, vm0, $0xb8;
	[tilespmem:$0x18200] =	vst v63  }
0x4c: {  	v3 =	vld.msk [tilespmem:$0x10], $0xff;
	_ =	sdelay $0x4  }
0x4d: {  	v63 =	vshll.u32 v3, $0x4  }
0x4e: {  	v3 =	vand.u32 $0x7, v3;
	v4 =	vand.u32 $0xFFFFFF80, v63  }
0x4f: {  	v3 =	vor.u32 v3, v4  }
0x50: {  	v3 =	vperm.xlane v3, v0;
	_ =	sdelay $0x1  }
0x51: {  	v3 =	vadd.s32 v1, v3;
	_ =	sdelay $0x4  }
0x52: {  	[tilespmem:s31], [sflag:$0x1] =	stream.indirect_vreg.gather [hbm4b:s2+s3], $0x80, v3, vm0, $0xb8;
	[tilespmem:$0x18200] =	vst v63  }
0x53: {  	s22 =	simm.s32 $0x8A00  }
0x54: {  	[tilespmem:s22], [sflag:$0x1] =	stream.indirect_vreg.gather [hbm4b:s5+s3], $0x80, v3, vm0, $0xb8;
	[tilespmem:$0x18200] =	vst v63  }
0x55: {  	s0 =	simm.s32 $0x0;
	s12 =	simm.s32 $0x1200;
	s23 =	simm.s32 $0x9200  }
0x56: {  	[tilespmem:s23], [sflag:$0x1] =	stream.indirect_vreg.gather [hbm4b:s6+s3], $0x80, v3, vm0, $0xb8;
	[tilespmem:$0x18200] =	vst v63  }
0x57: {  	s13 =	simm.s32 $0xB200;
	s14 =	simm.s32 $0x2200;
	s24 =	simm.s32 $0x9A00  }
0x58: {  	[tilespmem:s24], [sflag:$0x1] =	stream.indirect_vreg.gather [hbm4b:s7+s3], $0x80, v3, vm0, $0xb8;
	[tilespmem:$0x18200] =	vst v63  }
0x59: {  	s17 =	simm.s32 $0xBA00;
	s18 =	simm.s32 $0x3200;
	s25 =	simm.s32 $0xA200  }
0x5a: {  	[tilespmem:s25], [sflag:$0x1] =	stream.indirect_vreg.gather [hbm4b:s8+s3], $0x80, v3, vm0, $0xb8;
	[tilespmem:$0x18200] =	vst v63  }
0x5b: {  	s26 =	simm.s32 $0xAA00;
	s28 =	simm.s32 $0x6A00;
	s29 =	simm.s32 $0x7200  }
0x5c: {  	[tilespmem:s26], [sflag:$0x1] =	stream.indirect_vreg.gather [hbm4b:s9+s3], $0x80, v3, vm0, $0xb8;
	[tilespmem:$0x18200] =	vst v63  }
0x5d: {  	s31 =	simm.s32 $0x28;
	s22 =	simm.s32 $0x4200;
	s23 =	simm.s32 $0x4A00  }
0x5e: {  	[tilespmem:s13], [sflag:$0x1] =	stream.indirect_vreg.gather [hbm4b:s10+s3], $0x80, v3, vm0, $0xb8;
	[tilespmem:$0x18200] =	vst v63  }
0x5f: {  	s24 =	simm.s32 $0x5200;
	s25 =	simm.s32 $0x5A00;
	s26 =	simm.s32 $0x6200  }
0x60: {  	[tilespmem:s17], [sflag:$0x1] =	stream.indirect_vreg.gather [hbm4b:s11+s3], $0x80, v3, vm0, $0xb8;
	[tilespmem:$0x18200] =	vst v63  }
.LBB2_2:
0x61: {  	_ =	swait.ge [sflag:s20], $0xC000  }
0x62: {  	[sflag:s20] =	ssyncset.done $0x0  }
0x63: {  	[sflag:s20] =	ssyncadd.s32 $0xFFFF4000  }
0x64: {  	v3 =	vld [tilespmem:s31+$0xFFFFFFF0];
	_ =	sdelay $0x4  }
0x65: {  	v4 =	vshll.u32 v3, $0x4  }
0x66: {  	v3 =	vand.u32 $0x7, v3;
	v4 =	vand.u32 $0xFFFFFF80, v4  }
0x67: {  	v3 =	vor.u32 v3, v4  }
0x68: {  	v4 =	vperm.xlane v3, v0;
	_ =	sdelay $0x1  }
0x69: {  	v4 =	vadd.s32 v1, v4;
	_ =	sdelay $0x4  }
0x6a: {  	[tilespmem:s21], [sflag:$0x2] =	stream.indirect_vreg.gather [hbm4b:s2+s3], $0x80, v4, vm0, $0xb8;
	[tilespmem:$0x18200] =	vst v63  }
0x6b: {  	s1 =	simm.s32 $0xCA00  }
0x6c: {  	[tilespmem:s1], [sflag:$0x2] =	stream.indirect_vreg.gather [hbm4b:s5+s3], $0x80, v4, vm0, $0xb8;
	[tilespmem:$0x18200] =	vst v63  }
0x6d: {  	s4 =	simm.s32 $0xD200  }
0x6e: {  	[tilespmem:s4], [sflag:$0x2] =	stream.indirect_vreg.gather [hbm4b:s6+s3], $0x80, v4, vm0, $0xb8;
	[tilespmem:$0x18200] =	vst v63  }
0x6f: {  	s19 =	simm.s32 $0xDA00  }
0x70: {  	[tilespmem:s19], [sflag:$0x2] =	stream.indirect_vreg.gather [hbm4b:s7+s3], $0x80, v4, vm0, $0xb8;
	[tilespmem:$0x18200] =	vst v63  }
0x71: {  	s4 =	simm.s32 $0xE200  }
0x72: {  	[tilespmem:s4], [sflag:$0x2] =	stream.indirect_vreg.gather [hbm4b:s8+s3], $0x80, v4, vm0, $0xb8;
	[tilespmem:$0x18200] =	vst v63  }
0x73: {  	v3 =	vperm.xlane v3, v2;
	s19 =	simm.s32 $0xEA00  }
0x74: {  	[tilespmem:s19], [sflag:$0x2] =	stream.indirect_vreg.gather [hbm4b:s9+s3], $0x80, v4, vm0, $0xb8;
	[tilespmem:$0x18200] =	vst v63  }
0x75: {  	v3 =	vadd.s32 v1, v3;
	s4 =	simm.s32 $0xF200  }
0x76: {  	[tilespmem:s4], [sflag:$0x2] =	stream.indirect_vreg.gather [hbm4b:s10+s3], $0x80, v4, vm0, $0xb8;
	[tilespmem:$0x18200] =	vst v63  }
0x77: {  	s4 =	simm.s32 $0xFA00  }
0x78: {  	[tilespmem:s4], [sflag:$0x2] =	stream.indirect_vreg.gather [hbm4b:s11+s3], $0x80, v4, vm0, $0xb8;
	[tilespmem:$0x18200] =	vst v63  }
0x79: {  	s1 =	rddreg [dreg:$0x5]  }
0x7a: {  	[tilespmem:s1], [sflag:$0x2] =	stream.indirect_vreg.gather [hbm4b:s2+s3], $0x80, v3, vm0, $0xb8;
	[tilespmem:$0x18200] =	vst v63  }
0x7b: {  	s19 =	rddreg [dreg:$0x6]  }
0x7c: {  	[tilespmem:s19], [sflag:$0x2] =	stream.indirect_vreg.gather [hbm4b:s5+s3], $0x80, v3, vm0, $0xb8;
	[tilespmem:$0x18200] =	vst v63  }
0x7d: {  	s1 =	rddreg [dreg:$0x7]  }
0x7e: {  	[tilespmem:s1], [sflag:$0x2] =	stream.indirect_vreg.gather [hbm4b:s6+s3], $0x80, v3, vm0, $0xb8;
	[tilespmem:$0x18200] =	vst v63  }
0x7f: {  	s19 =	rddreg [dreg:$0x8]  }
0x80: {  	[tilespmem:s19], [sflag:$0x2] =	stream.indirect_vreg.gather [hbm4b:s7+s3], $0x80, v3, vm0, $0xb8;
	[tilespmem:$0x18200] =	vst v63  }
0x81: {  	s1 =	rddreg [dreg:$0x9]  }
0x82: {  	[tilespmem:s1], [sflag:$0x2] =	stream.indirect_vreg.gather [hbm4b:s8+s3], $0x80, v3, vm0, $0xb8;
	[tilespmem:$0x18200] =	vst v63  }
0x83: {  	s19 =	rddreg [dreg:$0xa]  }
0x84: {  	[tilespmem:s19], [sflag:$0x2] =	stream.indirect_vreg.gather [hbm4b:s9+s3], $0x80, v3, vm0, $0xb8;
	[tilespmem:$0x18200] =	vst v63  }
0x85: {  	s1 =	rddreg [dreg:$0xb]  }
0x86: {  	[tilespmem:s1], [sflag:$0x2] =	stream.indirect_vreg.gather [hbm4b:s10+s3], $0x80, v3, vm0, $0xb8;
	[tilespmem:$0x18200] =	vst v63  }
0x87: {  	s19 =	rddreg [dreg:$0xc]  }
0x88: {  	[tilespmem:s19], [sflag:$0x2] =	stream.indirect_vreg.gather [hbm4b:s11+s3], $0x80, v3, vm0, $0xb8;
	[tilespmem:$0x18200] =	vst v63  }
0x89: {  	v3 =	vld.msk [tilespmem:s31+$0x0], $0xff;
	_ =	sdelay $0x4  }
0x8a: {  	v61 =	vshll.u32 v3, $0x4  }
0x8b: {  	v3 =	vand.u32 $0x7, v3;
	v4 =	vand.u32 $0xFFFFFF80, v61  }
0x8c: {  	v3 =	vor.u32 v3, v4  }
0x8d: {  	v3 =	vperm.xlane v3, v0;
	_ =	sdelay $0x1  }
0x8e: {  	v3 =	vadd.s32 v1, v3;
	_ =	sdelay $0x2  }
0x8f: {  	s4 =	rddreg [dreg:$0xe]  }
0x90: {  	s19 =	rddreg [dreg:$0xd]  }
0x91: {  	[tilespmem:s19], [sflag:$0x2] =	stream.indirect_vreg.gather [hbm4b:s2+s3], $0x80, v3, vm0, $0xb8;
	[tilespmem:$0x18200] =	vst v63  }
0x92: {  	s19 =	rddreg [dreg:$0xf]  }
0x93: {  	[tilespmem:s4], [sflag:$0x2] =	stream.indirect_vreg.gather [hbm4b:s5+s3], $0x80, v3, vm0, $0xb8;
	[tilespmem:$0x18200] =	vst v63  }
0x94: {  	s4 =	rddreg [dreg:$0x10]  }
0x95: {  	[tilespmem:s19], [sflag:$0x2] =	stream.indirect_vreg.gather [hbm4b:s6+s3], $0x80, v3, vm0, $0xb8;
	[tilespmem:$0x18200] =	vst v63  }
0x96: {  	s19 =	rddreg [dreg:$0x11]  }
0x97: {  	[tilespmem:s4], [sflag:$0x2] =	stream.indirect_vreg.gather [hbm4b:s7+s3], $0x80, v3, vm0, $0xb8;
	[tilespmem:$0x18200] =	vst v63  }
0x98: {  	s4 =	rddreg [dreg:$0x12]  }
0x99: {  	[tilespmem:s19], [sflag:$0x2] =	stream.indirect_vreg.gather [hbm4b:s8+s3], $0x80, v3, vm0, $0xb8;
	[tilespmem:$0x18200] =	vst v63  }
0x9a: {  	s19 =	rddreg [dreg:$0x13]  }
0x9b: {  	[tilespmem:s4], [sflag:$0x2] =	stream.indirect_vreg.gather [hbm4b:s9+s3], $0x80, v3, vm0, $0xb8;
	[tilespmem:$0x18200] =	vst v63  }
0x9c: {  	s4 =	rddreg [dreg:$0x14]  }
0x9d: {  	[tilespmem:s19], [sflag:$0x2] =	stream.indirect_vreg.gather [hbm4b:s10+s3], $0x80, v3, vm0, $0xb8;
	[tilespmem:$0x18200] =	vst v63  }
0x9e: {  	s19 =	rddreg [dreg:$0x4]  }
0x9f: {  	[tilespmem:s4], [sflag:$0x2] =	stream.indirect_vreg.gather [hbm4b:s11+s3], $0x80, v3, vm0, $0xb8;
	[tilespmem:$0x18200] =	vst v63  }
0xa0: {  	s1 =	sadd.s32 s0, s19  }
0xa1: {  	[hbm4b:s1+s3] =	stream.linear.scatter [tilespmem:s16], [sflag:$0x3], $0xC000, $0x38;
	[tilespmem:$0x18200] =	vst v63  }
0xa2: {  	_ =	swait.ge [sflag:s15], $0xC000  }
0xa3: {  	[sflag:s15] =	ssyncset.done $0x0  }
0xa4: {  	[sflag:s15] =	ssyncadd.s32 $0xFFFF4000  }
0xa5: {  	_ =	swait.ge [sflag:s30], $0xC000  }
0xa6: {  	[sflag:s30] =	ssyncset.done $0x0  }
0xa7: {  	[sflag:s30] =	ssyncadd.s32 $0xFFFF4000  }
0xa8: {  	v3 =	vld [tilespmem:s31+$0x8];
	_ =	sdelay $0x4  }
0xa9: {  	v62 =	vshll.u32 v3, $0x4  }
0xaa: {  	v3 =	vand.u32 $0x7, v3;
	v4 =	vand.u32 $0xFFFFFF80, v62  }
0xab: {  	v3 =	vor.u32 v3, v4  }
0xac: {  	v4 =	vperm.xlane v3, v0;
	_ =	sdelay $0x1  }
0xad: {  	v4 =	vadd.s32 v1, v4;
	_ =	sdelay $0x4  }
0xae: {  	[tilespmem:s16], [sflag:$0x1] =	stream.indirect_vreg.gather [hbm4b:s2+s3], $0x80, v4, vm0, $0xb8;
	[tilespmem:$0x18200] =	vst v63  }
0xaf: {  	s4 =	simm.s32 $0xA00  }
0xb0: {  	[tilespmem:s4], [sflag:$0x1] =	stream.indirect_vreg.gather [hbm4b:s5+s3], $0x80, v4, vm0, $0xb8;
	[tilespmem:$0x18200] =	vst v63  }
0xb1: {  	_ = 	snop  }
0xb2: {  	[tilespmem:s12], [sflag:$0x1] =	stream.indirect_vreg.gather [hbm4b:s6+s3], $0x80, v4, vm0, $0xb8;
	[tilespmem:$0x18200] =	vst v63  }
0xb3: {  	s19 =	simm.s32 $0x1A00  }
0xb4: {  	[tilespmem:s19], [sflag:$0x1] =	stream.indirect_vreg.gather [hbm4b:s7+s3], $0x80, v4, vm0, $0xb8;
	[tilespmem:$0x18200] =	vst v63  }
0xb5: {  	_ = 	snop  }
0xb6: {  	[tilespmem:s14], [sflag:$0x1] =	stream.indirect_vreg.gather [hbm4b:s8+s3], $0x80, v4, vm0, $0xb8;
	[tilespmem:$0x18200] =	vst v63  }
0xb7: {  	v3 =	vperm.xlane v3, v2;
	s19 =	simm.s32 $0x2A00  }
0xb8: {  	[tilespmem:s19], [sflag:$0x1] =	stream.indirect_vreg.gather [hbm4b:s9+s3], $0x80, v4, vm0, $0xb8;
	[tilespmem:$0x18200] =	vst v63  }
0xb9: {  	v3 =	vadd.s32 v1, v3  }
0xba: {  	[tilespmem:s18], [sflag:$0x1] =	stream.indirect_vreg.gather [hbm4b:s10+s3], $0x80, v4, vm0, $0xb8;
	[tilespmem:$0x18200] =	vst v63  }
0xbb: {  	s19 =	simm.s32 $0x3A00  }
0xbc: {  	[tilespmem:s19], [sflag:$0x1] =	stream.indirect_vreg.gather [hbm4b:s11+s3], $0x80, v4, vm0, $0xb8;
	[tilespmem:$0x18200] =	vst v63  }
0xbd: {  	_ = 	snop  }
0xbe: {  	[tilespmem:s22], [sflag:$0x1] =	stream.indirect_vreg.gather [hbm4b:s2+s3], $0x80, v3, vm0, $0xb8;
	[tilespmem:$0x18200] =	vst v63  }
0xbf: {  	_ = 	snop  }
0xc0: {  	[tilespmem:s23], [sflag:$0x1] =	stream.indirect_vreg.gather [hbm4b:s5+s3], $0x80, v3, vm0, $0xb8;
	[tilespmem:$0x18200] =	vst v63  }
0xc1: {  	_ = 	snop  }
0xc2: {  	[tilespmem:s24], [sflag:$0x1] =	stream.indirect_vreg.gather [hbm4b:s6+s3], $0x80, v3, vm0, $0xb8;
	[tilespmem:$0x18200] =	vst v63  }
0xc3: {  	_ = 	snop  }
0xc4: {  	[tilespmem:s25], [sflag:$0x1] =	stream.indirect_vreg.gather [hbm4b:s7+s3], $0x80, v3, vm0, $0xb8;
	[tilespmem:$0x18200] =	vst v63  }
0xc5: {  	_ = 	snop  }
0xc6: {  	[tilespmem:s26], [sflag:$0x1] =	stream.indirect_vreg.gather [hbm4b:s8+s3], $0x80, v3, vm0, $0xb8;
	[tilespmem:$0x18200] =	vst v63  }
0xc7: {  	_ = 	snop  }
0xc8: {  	[tilespmem:s28], [sflag:$0x1] =	stream.indirect_vreg.gather [hbm4b:s9+s3], $0x80, v3, vm0, $0xb8;
	[tilespmem:$0x18200] =	vst v63  }
0xc9: {  	_ = 	snop  }
0xca: {  	[tilespmem:s29], [sflag:$0x1] =	stream.indirect_vreg.gather [hbm4b:s10+s3], $0x80, v3, vm0, $0xb8;
	[tilespmem:$0x18200] =	vst v63  }
0xcb: {  	s19 =	simm.s32 $0x7A00  }
0xcc: {  	[tilespmem:s19], [sflag:$0x1] =	stream.indirect_vreg.gather [hbm4b:s11+s3], $0x80, v3, vm0, $0xb8;
	[tilespmem:$0x18200] =	vst v63  }
0xcd: {  	v3 =	vld.msk [tilespmem:s31+$0x18], $0xff;
	_ =	sdelay $0x4  }
0xce: {  	v63 =	vshll.u32 v3, $0x4  }
0xcf: {  	v3 =	vand.u32 $0x7, v3;
	v4 =	vand.u32 $0xFFFFFF80, v63  }
0xd0: {  	v3 =	vor.u32 v3, v4  }
0xd1: {  	v3 =	vperm.xlane v3, v0;
	_ =	sdelay $0x1  }
0xd2: {  	v3 =	vadd.s32 v1, v3;
	_ =	sdelay $0x3  }
0xd3: {  	s19 =	simm.s32 $0x8200  }
0xd4: {  	[tilespmem:s19], [sflag:$0x1] =	stream.indirect_vreg.gather [hbm4b:s2+s3], $0x80, v3, vm0, $0xb8;
	[tilespmem:$0x18200] =	vst v63  }
0xd5: {  	s19 =	simm.s32 $0x8A00  }
0xd6: {  	[tilespmem:s19], [sflag:$0x1] =	stream.indirect_vreg.gather [hbm4b:s5+s3], $0x80, v3, vm0, $0xb8;
	[tilespmem:$0x18200] =	vst v63  }
0xd7: {  	s19 =	simm.s32 $0x9200  }
0xd8: {  	[tilespmem:s19], [sflag:$0x1] =	stream.indirect_vreg.gather [hbm4b:s6+s3], $0x80, v3, vm0, $0xb8;
	[tilespmem:$0x18200] =	vst v63  }
0xd9: {  	s19 =	simm.s32 $0x9A00  }
0xda: {  	[tilespmem:s19], [sflag:$0x1] =	stream.indirect_vreg.gather [hbm4b:s7+s3], $0x80, v3, vm0, $0xb8;
	[tilespmem:$0x18200] =	vst v63  }
0xdb: {  	s19 =	simm.s32 $0xA200  }
0xdc: {  	[tilespmem:s19], [sflag:$0x1] =	stream.indirect_vreg.gather [hbm4b:s8+s3], $0x80, v3, vm0, $0xb8;
	[tilespmem:$0x18200] =	vst v63  }
0xdd: {  	s19 =	simm.s32 $0xAA00  }
0xde: {  	[tilespmem:s19], [sflag:$0x1] =	stream.indirect_vreg.gather [hbm4b:s9+s3], $0x80, v3, vm0, $0xb8;
	[tilespmem:$0x18200] =	vst v63  }
0xdf: {  	_ = 	snop  }
0xe0: {  	[tilespmem:s13], [sflag:$0x1] =	stream.indirect_vreg.gather [hbm4b:s10+s3], $0x80, v3, vm0, $0xb8;
	[tilespmem:$0x18200] =	vst v63  }
0xe1: {  	p0 =	sne.s32 s0, $0x1B000  }
0xe2: {  	[tilespmem:s17], [sflag:$0x1] =	stream.indirect_vreg.gather [hbm4b:s11+s3], $0x80, v3, vm0, $0xb8;
	[tilespmem:$0x18200] =	vst v63  }
.Ltmp0:
0xe3: {  	s1 =	sadd.s32 $0x1800, s1;
	(pc) =	sbr.rel @p0 .LBB2_2-.Ltmp0, $4  }
0xe4: {  	[hbm4b:s1+s3] =	stream.linear.scatter [tilespmem:s21], [sflag:$0x3], $0xC000, $0x38;
	[tilespmem:$0x18200] =	vst v63  }
0xe5: {  	_ =	swait.ge [sflag:s15], $0xC000  }
0xe6: {  	[sflag:s15] =	ssyncset.done $0x0  }
0xe7: {  	s0 =	sadd.s32 $0x3000, s0;
	s31 =	sadd.s32 $0x30, s31;
	[sflag:s15] =	ssyncadd.s32 $0xFFFF4000  }
0xe8: {  	_ =	swait.ge [sflag:s20], $0xC000  }
0xe9: {  	[sflag:s20] =	ssyncset.done $0x0  }
0xea: {  	[sflag:s20] =	ssyncadd.s32 $0xFFFF4000  }
0xeb: {  	v3 =	vld.msk [tilespmem:$0x1F8], $0xff;
	_ =	sdelay $0x4  }
0xec: {  	v4 =	vshll.u32 v3, $0x4  }
0xed: {  	v3 =	vand.u32 $0x7, v3;
	v4 =	vand.u32 $0xFFFFFF80, v4  }
0xee: {  	v3 =	vor.u32 v3, v4  }
0xef: {  	v3 =	vperm.xlane v3, v0;
	_ =	sdelay $0x1  }
0xf0: {  	v3 =	vadd.s32 v1, v3;
	_ =	sdelay $0x4  }
0xf1: {  	[tilespmem:s21], [sflag:$0x2] =	stream.indirect_vreg.gather [hbm4b:s2+s3], $0x80, v3, vm0, $0xb8;
	[tilespmem:$0x18200] =	vst v63  }
0xf2: {  	s0 =	simm.s32 $0xCA00  }
0xf3: {  	[tilespmem:s0], [sflag:$0x2] =	stream.indirect_vreg.gather [hbm4b:s5+s3], $0x80, v3, vm0, $0xb8;
	[tilespmem:$0x18200] =	vst v63  }
0xf4: {  	s14 =	simm.s32 $0xD200  }
0xf5: {  	[tilespmem:s14], [sflag:$0x2] =	stream.indirect_vreg.gather [hbm4b:s6+s3], $0x80, v3, vm0, $0xb8;
	[tilespmem:$0x18200] =	vst v63  }
0xf6: {  	s17 =	simm.s32 $0xDA00  }
0xf7: {  	[tilespmem:s17], [sflag:$0x2] =	stream.indirect_vreg.gather [hbm4b:s7+s3], $0x80, v3, vm0, $0xb8;
	[tilespmem:$0x18200] =	vst v63  }
0xf8: {  	s18 =	simm.s32 $0xE200  }
0xf9: {  	[tilespmem:s18], [sflag:$0x2] =	stream.indirect_vreg.gather [hbm4b:s8+s3], $0x80, v3, vm0, $0xb8;
	[tilespmem:$0x18200] =	vst v63  }
0xfa: {  	s19 =	simm.s32 $0xEA00  }
0xfb: {  	[tilespmem:s19], [sflag:$0x2] =	stream.indirect_vreg.gather [hbm4b:s9+s3], $0x80, v3, vm0, $0xb8;
	[tilespmem:$0x18200] =	vst v63  }
0xfc: {  	s22 =	simm.s32 $0xF200  }
0xfd: {  	[tilespmem:s22], [sflag:$0x2] =	stream.indirect_vreg.gather [hbm4b:s10+s3], $0x80, v3, vm0, $0xb8;
	[tilespmem:$0x18200] =	vst v63  }
0xfe: {  	s23 =	simm.s32 $0xFA00  }
0xff: {  	[tilespmem:s23], [sflag:$0x2] =	stream.indirect_vreg.gather [hbm4b:s11+s3], $0x80, v3, vm0, $0xb8;
	[tilespmem:$0x18200] =	vst v63  }
0x100: {  	s24 =	rddreg [dreg:$0x16]  }
0x101: {  	[hbm4b:s24+s3] =	stream.linear.scatter [tilespmem:s16], [sflag:$0x3], $0xC000, $0x38;
	[tilespmem:$0x18200] =	vst v63  }
0x102: {  	_ =	swait.ge [sflag:s15], $0xC000  }
0x103: {  	[sflag:s15] =	ssyncset.done $0x0  }
0x104: {  	[sflag:s15] =	ssyncadd.s32 $0xFFFF4000  }
0x105: {  	_ =	swait.ge [sflag:s30], $0x4000  }
0x106: {  	[sflag:s30] =	ssyncset.done $0x0  }
0x107: {  	s25 =	rddreg [dreg:$0x17];
	[sflag:s30] =	ssyncadd.s32 $0xFFFFC000  }
0x108: {  	[hbm4b:s25+s3] =	stream.linear.scatter [tilespmem:s21], [sflag:$0x3], $0x4000, $0x38;
	[tilespmem:$0x18200] =	vst v63  }
0x109: {  	_ =	swait.ge [sflag:s15], $0x4000  }
0x10a: {  	s12 =	simm.s32 $0x1A00;
	s1 =	rddreg [dreg:$0x19]  }
0x10b: {  	s13 =	simm.s32 $0x2200;
	s26 =	rddreg [dreg:$0x18];
	s1 =	sadd.s32 $0x1, s1  }
0x10c: {  	s28 =	simm.s32 $0x7200;
	s29 =	simm.s32 $0x7A00;
	p0 =	sne.s32 s1, s26  }
.Ltmp1:
0x10d: {  	s31 =	simm.s32 $0x8200;
	s14 =	simm.s32 $0x2A00;
	(pc) =	sbr.rel @p0 .LBB2_1-.Ltmp1, $4  }
0x10e: {  	s17 =	simm.s32 $0x3200;
	s18 =	simm.s32 $0x3A00;
	s19 =	simm.s32 $0x4200  }
0x10f: {  	s22 =	simm.s32 $0x4A00;
	s23 =	simm.s32 $0x5200;
	[sflag:s15] =	ssyncset.done $0x0  }
0x110: {  	s24 =	simm.s32 $0x5A00;
	s25 =	simm.s32 $0x6200;
	[sflag:s15] =	ssyncadd.s32 $0xFFFFC000  }
0x111: {  	[dreg:$0x19] =	wrdreg s1;
	s1 =	simm.s32 $0x1200;
	s26 =	simm.s32 $0x6A00  }
0x112: {  	_ =	sfence.sel $0x180000  }
0x113: {  	[bflag:$0x0] =	sbarrier.arrive $0xFFFF  }
0x114: {  	_ =	strace $0x90000047  }
0x115: {  	s0 =	stileid.u32;
	[bflag:$0x2] =	sbarrier.arrive $0xFFFF  }
0x116: {  	p0 =	sne.s32 s0, $0x0;
	s0 =	rddreg [dreg:$0x3]  }
0x117: {  	s0 =	sadd.s32 @!p0 $0x100000, s0  }
0x118: {  	[sflag:s0] =	ssyncadd.tile.s32 @!p0 $0x1;
	_ =	shalt  }
.Lfunc_end2:
_tile_overlayer_lowered:
.L_overlay_start_2:
0x119: {  	(tag) =	ssettag $0x2  }
0x11a: {  	s0 =	rddreg [dreg:$0x0];
	s2 =	stileid.u32  }
0x11b: {  	s1 =	rddreg [dreg:$0x1];
	p0 =	sne.s32 s2, $0x0  }
0x11c: {  	s3 =	rddreg [dreg:$0x2];
	[bflag:$0x3] =	sbarrier.arrive $0xFFFF;
	s2 =	simm.s32 @!p0 $0x1C03  }
0x11d: {  	[timem:s3], [sflag:s2] =	dma.local @!p0 [hbm:s0], s1  }
0x11e: {  	s0 =	simm.s32 @!p0 $0x3  }
0x11f: {  	_ =	swait.ge @!p0 [sflag:s0], s1  }
0x120: {  	s1 =	ssub.s32 @!p0 $0x0, s1;
	[sflag:s0] =	ssyncset.done @!p0 $0x0  }
0x121: {  	[sflag:s0] =	ssyncadd.s32 @!p0 s1  }
0x122: {  	[bflag:$0x3] =	sbarrier.arrive $0xFFFF  }
0x123: {  	_ =	shalt  }

</sc_bundles>
